<compile_context>
chip_gen: v7x
topology: tpu7x:2x2x1
jax: 0.10.2.dev20260603
libtpu: 0.0.44.dev20260713+nightly
codegen_flags: <defaults>
</compile_context>

<pallas_src>
import jax
import jax.numpy as jnp
from jax.experimental import pallas as pl

N = 4096
F = 128
H = 2
C = 64
D = 64
HC = H * C
R = 256


def _feat_body(x_ref, wk_ref, ss4_ref, sn4_ref, sn4t_ref, adiag_ref,
               aug0_ref, aug1_ref, afse_ref, afne_ref, coef_ref):
    xk = jnp.dot(x_ref[...], wk_ref[...], preferred_element_type=jnp.float32)
    af4 = jnp.dot(xk, ss4_ref[...], preferred_element_type=jnp.float32)
    afse_ref[...] = jnp.exp(af4).astype(jnp.bfloat16)
    afn4 = jax.lax.dot_general(sn4t_ref[...], xk, (((1,), (1,)), ((), ())),
                               preferred_element_type=jnp.float32)
    afne_ref[...] = jnp.concatenate(
        [jnp.exp(afn4), jnp.zeros((12, N), jnp.float32)],
        axis=0).astype(jnp.bfloat16)
    ones = jnp.ones((N, 1), jnp.float32)
    aug0_ref[...] = jnp.concatenate([xk[:, :C], ones], axis=1).astype(jnp.bfloat16)
    aug1_ref[...] = jnp.concatenate([xk[:, C:], ones], axis=1).astype(jnp.bfloat16)
    afn_n4 = jnp.dot(xk, sn4_ref[...], preferred_element_type=jnp.float32)
    lg4 = af4 + afn_n4
    self_e = jnp.maximum(jnp.exp(lg4[:, :H]), jnp.exp(lg4[:, H:]))
    coef_ref[...] = (1.0 - adiag_ref[...]) * self_e


def _gat_gru_body(a_ref, aug0f_ref, aug1f_ref, aug0b_ref, aug1b_ref,
                  afse_ref, afne_ref, coef_ref, h_ref,
                  bu_ref, br_ref, bc_ref, gb0_ref, gb1_ref,
                  wu_ref, wr_ref, wc_ref, h1_ref):
    a_bf = a_ref[...].astype(jnp.bfloat16)
    convs = []
    for h, augf_ref, augb_ref, gb_ref in (
            (0, aug0f_ref, aug0b_ref, gb0_ref),
            (1, aug1f_ref, aug1b_ref, gb1_ref)):
        p1 = afse_ref[:, h:h + 1]
        p2 = afse_ref[:, 2 + h:3 + h]
        q1 = afne_ref[h:h + 1, :]
        q2 = afne_ref[2 + h:3 + h, :]
        w = a_bf * jnp.maximum(p1 * q1, p2 * q2)
        agg = jnp.dot(w, augf_ref[...], preferred_element_type=jnp.float32)
        agg = agg + coef_ref[:, h:h + 1] * augb_ref[...].astype(jnp.float32)
        convs.append(agg[:, :C] / agg[:, C:C + 1] + gb_ref[...])
    c0, c1 = convs

    h_b = h_ref[...]
    wu = wu_ref[...]
    wr = wr_ref[...]
    wc = wc_ref[...]

    def mm3(w, a0, a1, a2):
        return (jnp.dot(a0, w[:C, :], preferred_element_type=jnp.float32)
                + jnp.dot(a1, w[C:HC, :], preferred_element_type=jnp.float32)
                + jnp.dot(a2, w[HC:, :], preferred_element_type=jnp.float32))

    u = jax.nn.sigmoid(bu_ref[...] + mm3(wu, c0, c1, h_b))
    r = jax.nn.sigmoid(br_ref[...] + mm3(wr, c0, c1, h_b))
    c = jnp.tanh(bc_ref[...] + mm3(wc, c0, c1, r * h_b))
    h1_ref[...] = u * h_b + (1.0 - u) * c


def _decode_body(hb_ref, hf_ref, rp_ref, a_ref):
    hr = jnp.dot(hb_ref[...], rp_ref[...], preferred_element_type=jnp.float32)
    a_ref[...] = jax.lax.dot_general(
        hr, hf_ref[...], (((1,), (1,)), ((), ())),
        preferred_element_type=jnp.float32)


@jax.jit
def kernel(x, a, h_state, kernel, attn_self, attn_neighs, gat_bias,
           b_u, b_r, b_c, W_u, W_r, W_c, R_p):
    x2 = x.reshape(N, F)
    a2 = a.reshape(N, N)
    h2 = h_state.reshape(N, D)
    wk = kernel.reshape(F, HC)
    adiag = jnp.diagonal(a2).reshape(N, 1)
    hsel = (jnp.arange(HC, dtype=jnp.int32) // C)[:, None] \
        == jnp.arange(H, dtype=jnp.int32)[None, :]
    ss = jnp.where(hsel, jnp.tile(attn_self[:, :, 0], (H, 1)), 0.0)
    sn = jnp.where(hsel, jnp.tile(attn_neighs[:, :, 0], (H, 1)), 0.0)
    ss4 = jnp.concatenate([ss, 0.2 * ss], axis=1)
    sn4 = jnp.concatenate([sn, 0.2 * sn], axis=1)
    sn4t = jnp.concatenate([sn.T, 0.2 * sn.T], axis=0)
    gb0 = gat_bias[:C].reshape(1, C)
    gb1 = gat_bias[C:].reshape(1, C)

    aug0, aug1, afse, afne, coef = pl.pallas_call(
        _feat_body,
        out_shape=(jax.ShapeDtypeStruct((N, C + 1), jnp.bfloat16),
                   jax.ShapeDtypeStruct((N, C + 1), jnp.bfloat16),
                   jax.ShapeDtypeStruct((N, 4), jnp.bfloat16),
                   jax.ShapeDtypeStruct((16, N), jnp.bfloat16),
                   jax.ShapeDtypeStruct((N, H), jnp.float32)),
    )(x2, wk, ss4, sn4, sn4t, adiag)

    nblk = N // R
    full = lambda i: (0, 0)
    blk = lambda i: (i, 0)
    h1 = pl.pallas_call(
        _gat_gru_body,
        grid=(nblk,),
        in_specs=[
            pl.BlockSpec((R, N), blk),
            pl.BlockSpec((N, C + 1), full),
            pl.BlockSpec((N, C + 1), full),
            pl.BlockSpec((R, C + 1), blk),
            pl.BlockSpec((R, C + 1), blk),
            pl.BlockSpec((R, 4), blk),
            pl.BlockSpec((16, N), full),
            pl.BlockSpec((R, H), blk),
            pl.BlockSpec((R, D), blk),
            pl.BlockSpec((R, 1), blk),
            pl.BlockSpec((R, 1), blk),
            pl.BlockSpec((R, 1), blk),
            pl.BlockSpec((1, C), full),
            pl.BlockSpec((1, C), full),
            pl.BlockSpec((HC + D, D), full),
            pl.BlockSpec((HC + D, D), full),
            pl.BlockSpec((HC + D, D), full),
        ],
        out_specs=pl.BlockSpec((R, D), blk),
        out_shape=jax.ShapeDtypeStruct((N, D), jnp.float32),
    )(a2, aug0, aug1, aug0, aug1, afse, afne, coef, h2,
      b_u, b_r, b_c, gb0, gb1, W_u, W_r, W_c)

    A = pl.pallas_call(
        _decode_body,
        grid=(nblk,),
        in_specs=[
            pl.BlockSpec((R, D), blk),
            pl.BlockSpec((N, D), full),
            pl.BlockSpec((D, D), full),
        ],
        out_specs=pl.BlockSpec((R, N), blk),
        out_shape=jax.ShapeDtypeStruct((N, N), jnp.float32),
    )(h1, h1, R_p)

    return (A.reshape(1, N, N), h1.reshape(1, N, D))

# --- scband reference (transcript-rebuilt; emitter-appended) ---
"""Pipeline reference for scband-nested-cell3-59493886984655 (READ-ONLY COPY).

The authoritative reference and input builder live on the scoring server;
editing this copy changes nothing except your own understanding.
"""

import jax, jax.numpy as jnp
import numpy as np

B, N, F, H, C, D = 1, 4096, 128, 2, 64, 64


def setup_inputs(seed: int = 0) -> dict:
    key = jax.random.key(seed)
    ks = jax.random.split(key, 14)
    s = 0.05
    x = jax.random.normal(ks[0], (B, N, F), dtype=jnp.float32)
    a = jax.random.randint(ks[1], (B, N, N), 0, 2).astype(jnp.float32)
    h_state = jax.random.normal(ks[2], (B, N, D), dtype=jnp.float32)
    kernel = jax.random.normal(ks[3], (F, H, C), dtype=jnp.float32) * s
    attn_self = jax.random.normal(ks[4], (C, H, 1), dtype=jnp.float32) * s
    attn_neighs = jax.random.normal(ks[5], (C, H, 1), dtype=jnp.float32) * s
    gat_bias = jnp.zeros((H * C,), dtype=jnp.float32)
    b_u = jax.random.normal(ks[6], (N, 1), dtype=jnp.float32) * s
    b_r = jax.random.normal(ks[7], (N, 1), dtype=jnp.float32) * s
    b_c = jax.random.normal(ks[8], (N, 1), dtype=jnp.float32) * s
    W_u = jax.random.normal(ks[9], (D + H * C, D), dtype=jnp.float32) * s
    W_r = jax.random.normal(ks[10], (D + H * C, D), dtype=jnp.float32) * s
    W_c = jax.random.normal(ks[11], (D + H * C, D), dtype=jnp.float32) * s
    R_p = jax.random.normal(ks[12], (D, D), dtype=jnp.float32) * s
    return {"x": x, "a": a, "h_state": h_state, "kernel": kernel,
            "attn_self": attn_self, "attn_neighs": attn_neighs, "gat_bias": gat_bias,
            "b_u": b_u, "b_r": b_r, "b_c": b_c,
            "W_u": W_u, "W_r": W_r, "W_c": W_c, "R_p": R_p}


def _gat_dense(x, a, kernel, attn_self, attn_neighs, gat_bias):
    # spektral GATConv dense mode, concat_heads=True, activation=None, no dropout (training=False)
    n = a.shape[-1]
    eye = jnp.eye(n, dtype=a.dtype)
    a = jnp.where(eye > 0, 1.0, a)  # add self loops
    xk = jnp.einsum("bnf,fhc->bnhc", x, kernel)                 # [B,N,H,C]
    afs = jnp.einsum("bnhc,cho->bnho", xk, attn_self)            # [B,N,H,1]
    afn = jnp.einsum("bnhc,cho->bnho", xk, attn_neighs)          # [B,N,H,1]
    afn = jnp.transpose(afn, (0, 3, 2, 1))                       # [B,1,H,N]
    attn = jax.nn.leaky_relu(afs + afn, negative_slope=0.2)     # [B,N,H,N]
    mask = jnp.where(a == 0.0, -10e9, 0.0).astype(attn.dtype)   # [B,N,N]
    attn = attn + mask[:, :, None, :]
    attn = jax.nn.softmax(attn, axis=-1)
    out = jnp.einsum("bnhm,bmhc->bnhc", attn, xk)               # [B,N,H,C]
    out = out.reshape(out.shape[0], out.shape[1], -1) + gat_bias  # concat heads + bias
    return out


def reference(x, a, h_state, kernel, attn_self, attn_neighs, gat_bias,
              b_u, b_r, b_c, W_u, W_r, W_c, R_p):
    h = h_state
    conv_u = _gat_dense(x, a, kernel, attn_self, attn_neighs, gat_bias)  # [B,N,H*C]
    z = jnp.concatenate([conv_u, h], axis=-1)
    u = jax.nn.sigmoid(b_u + z @ W_u)
    r = jax.nn.sigmoid(b_r + z @ W_r)
    c = jnp.tanh(b_c + jnp.concatenate([conv_u, r * h], axis=-1) @ W_c)
    h_prime = u * h + (1.0 - u) * c
    # BatchBilinearDecoderDense with activation=None: A = X R X^T
    A = jnp.einsum("bnd,de,bme->bnm", h_prime, R_p, h_prime)
    return (A, h_prime)

if __name__ == "__main__":
    import jax
    _d = setup_inputs()
    print(jax.jit(kernel)(*tuple(_d.values())))

</pallas_src>

<mosaic_0001>
module attributes {stable_mosaic.version = 14 : i64} {
  func.func @_feat_body(%arg0: memref<4096x128xf32, #tpu.memory_space<vmem>>, %arg1: memref<128x128xf32, #tpu.memory_space<vmem>>, %arg2: memref<128x4xf32, #tpu.memory_space<vmem>>, %arg3: memref<128x4xf32, #tpu.memory_space<vmem>>, %arg4: memref<4x128xf32, #tpu.memory_space<vmem>>, %arg5: memref<4096x1xf32, #tpu.memory_space<vmem>>, %arg6: memref<4096x65xbf16, #tpu.memory_space<vmem>>, %arg7: memref<4096x65xbf16, #tpu.memory_space<vmem>>, %arg8: memref<4096x4xbf16, #tpu.memory_space<vmem>>, %arg9: memref<16x4096xbf16, #tpu.memory_space<vmem>>, %arg10: memref<4096x2xf32, #tpu.memory_space<vmem>>) attributes {dimension_semantics = [], scalar_prefetch = 0 : i64, scratch_operands = 0 : i64, tpu.core_type = #tpu.core_type<tc>} {
    %get3A = arith.constant 0 : index
    %get3A_0 = arith.constant 0 : index
    %get3A_1 = vector.load %arg0[%get3A, %get3A_0] : memref<4096x128xf32, #tpu.memory_space<vmem>>, vector<4096x128xf32>
    %get3A_2 = arith.constant 0 : index
    %get3A_3 = arith.constant 0 : index
    %get3A_4 = vector.load %arg1[%get3A_2, %get3A_3] : memref<128x128xf32, #tpu.memory_space<vmem>>, vector<128x128xf32>
    %dot_general3A = arith.constant dense<0.000000e+00> : vector<4096x128xf32>
    %dot_general3A_5 = tpu.matmul %get3A_1, %get3A_4, %dot_general3A {dimension_numbers = #tpu.dot_dimension_numbers<[1], [0], [0], [1], [0, 0, 1, 1], [], []>, transpose_lhs_hint = false} : vector<4096x128xf32>, vector<128x128xf32>, vector<4096x128xf32> -> vector<4096x128xf32>
    %get3A_6 = arith.constant 0 : index
    %get3A_7 = arith.constant 0 : index
    %get3A_8 = vector.load %arg2[%get3A_6, %get3A_7] : memref<128x4xf32, #tpu.memory_space<vmem>>, vector<128x4xf32>
    %dot_general3A_9 = arith.constant dense<0.000000e+00> : vector<4096x4xf32>
    %dot_general3A_10 = tpu.matmul %dot_general3A_5, %get3A_8, %dot_general3A_9 {dimension_numbers = #tpu.dot_dimension_numbers<[1], [0], [0], [1], [0, 0, 1, 1], [], []>, transpose_lhs_hint = false} : vector<4096x128xf32>, vector<128x4xf32>, vector<4096x4xf32> -> vector<4096x4xf32>
    %exp3A = math.exp %dot_general3A_10 : vector<4096x4xf32>
    %convert_element_type3A = arith.truncf %exp3A : vector<4096x4xf32> to vector<4096x4xbf16>
    %swap3A = arith.constant 0 : index
    %swap3A_11 = arith.constant 0 : index
    %swap3A_12 = vector.load %arg8[%swap3A, %swap3A_11] : memref<4096x4xbf16, #tpu.memory_space<vmem>>, vector<4096x4xbf16>
    tpu.vector_store %arg8[%swap3A, %swap3A_11], %convert_element_type3A {strides = array<i32>} : memref<4096x4xbf16, #tpu.memory_space<vmem>>, vector<4096x4xbf16>,
    %get3A_13 = arith.constant 0 : index
    %get3A_14 = arith.constant 0 : index
    %get3A_15 = vector.load %arg4[%get3A_13, %get3A_14] : memref<4x128xf32, #tpu.memory_space<vmem>>, vector<4x128xf32>
    %dot_general3A_16 = arith.constant dense<0.000000e+00> : vector<4x4096xf32>
    %dot_general3A_17 = tpu.matmul %get3A_15, %dot_general3A_5, %dot_general3A_16 {dimension_numbers = #tpu.dot_dimension_numbers<[1], [1], [0], [0], [0, 0, 1, 0], [], []>, transpose_lhs_hint = false} : vector<4x128xf32>, vector<4096x128xf32>, vector<4x4096xf32> -> vector<4x4096xf32>
    %exp3A_18 = math.exp %dot_general3A_17 : vector<4x4096xf32>
    %broadcast_in_dim3A = arith.constant 0.000000e+00 : f32
    %broadcast_in_dim3A_19 = vector.broadcast %broadcast_in_dim3A : f32 to vector<12x4096xf32>
    %concatenate3A = tpu.concatenate %exp3A_18, %broadcast_in_dim3A_19 in 0 : vector<4x4096xf32>, vector<12x4096xf32> -> vector<16x4096xf32>
    %convert_element_type3A_20 = arith.truncf %concatenate3A : vector<16x4096xf32> to vector<16x4096xbf16>
    %swap3A_21 = arith.constant 0 : index
    %swap3A_22 = arith.constant 0 : index
    %swap3A_23 = vector.load %arg9[%swap3A_21, %swap3A_22] : memref<16x4096xbf16, #tpu.memory_space<vmem>>, vector<16x4096xbf16>
    tpu.vector_store %arg9[%swap3A_21, %swap3A_22], %convert_element_type3A_20 {strides = array<i32>} : memref<16x4096xbf16, #tpu.memory_space<vmem>>, vector<16x4096xbf16>,
    %broadcast_in_dim3A_24 = arith.constant 1.000000e+00 : f32
    %broadcast_in_dim3A_25 = vector.broadcast %broadcast_in_dim3A_24 : f32 to vector<4096x1xf32>
    %slice3A = vector.extract_strided_slice %dot_general3A_5 {offsets = [0, 0], sizes = [4096, 64], strides = [1, 1]} : vector<4096x128xf32> to vector<4096x64xf32>
    %concatenate3A_26 = tpu.concatenate %slice3A, %broadcast_in_dim3A_25 in 1 : vector<4096x64xf32>, vector<4096x1xf32> -> vector<4096x65xf32>
    %convert_element_type3A_27 = arith.truncf %concatenate3A_26 : vector<4096x65xf32> to vector<4096x65xbf16>
    %swap3A_28 = arith.constant 0 : index
    %swap3A_29 = arith.constant 0 : index
    %swap3A_30 = vector.load %arg6[%swap3A_28, %swap3A_29] : memref<4096x65xbf16, #tpu.memory_space<vmem>>, vector<4096x65xbf16>
    tpu.vector_store %arg6[%swap3A_28, %swap3A_29], %convert_element_type3A_27 {strides = array<i32>} : memref<4096x65xbf16, #tpu.memory_space<vmem>>, vector<4096x65xbf16>,
    %slice3A_31 = vector.extract_strided_slice %dot_general3A_5 {offsets = [0, 64], sizes = [4096, 64], strides = [1, 1]} : vector<4096x128xf32> to vector<4096x64xf32>
    %concatenate3A_32 = tpu.concatenate %slice3A_31, %broadcast_in_dim3A_25 in 1 : vector<4096x64xf32>, vector<4096x1xf32> -> vector<4096x65xf32>
    %convert_element_type3A_33 = arith.truncf %concatenate3A_32 : vector<4096x65xf32> to vector<4096x65xbf16>
    %swap3A_34 = arith.constant 0 : index
    %swap3A_35 = arith.constant 0 : index
    %swap3A_36 = vector.load %arg7[%swap3A_34, %swap3A_35] : memref<4096x65xbf16, #tpu.memory_space<vmem>>, vector<4096x65xbf16>
    tpu.vector_store %arg7[%swap3A_34, %swap3A_35], %convert_element_type3A_33 {strides = array<i32>} : memref<4096x65xbf16, #tpu.memory_space<vmem>>, vector<4096x65xbf16>,
    %get3A_37 = arith.constant 0 : index
    %get3A_38 = arith.constant 0 : index
    %get3A_39 = vector.load %arg3[%get3A_37, %get3A_38] : memref<128x4xf32, #tpu.memory_space<vmem>>, vector<128x4xf32>
    %dot_general3A_40 = arith.constant dense<0.000000e+00> : vector<4096x4xf32>
    %dot_general3A_41 = tpu.matmul %dot_general3A_5, %get3A_39, %dot_general3A_40 {dimension_numbers = #tpu.dot_dimension_numbers<[1], [0], [0], [1], [0, 0, 1, 1], [], []>, transpose_lhs_hint = false} : vector<4096x128xf32>, vector<128x4xf32>, vector<4096x4xf32> -> vector<4096x4xf32>
    %add3A = arith.addf %dot_general3A_10, %dot_general3A_41 : vector<4096x4xf32>
    %slice3A_42 = vector.extract_strided_slice %add3A {offsets = [0, 0], sizes = [4096, 2], strides = [1, 1]} : vector<4096x4xf32> to vector<4096x2xf32>
    %exp3A_43 = math.exp %slice3A_42 : vector<4096x2xf32>
    %slice3A_44 = vector.extract_strided_slice %add3A {offsets = [0, 2], sizes = [4096, 2], strides = [1, 1]} : vector<4096x4xf32> to vector<4096x2xf32>
    %exp3A_45 = math.exp %slice3A_44 : vector<4096x2xf32>
    %max3A = arith.maximumf %exp3A_43, %exp3A_45 : vector<4096x2xf32>
    %get3A_46 = arith.constant 0 : index
    %get3A_47 = arith.constant 0 : index
    %get3A_48 = vector.load %arg5[%get3A_46, %get3A_47] : memref<4096x1xf32, #tpu.memory_space<vmem>>, vector<4096x1xf32>
    %sub3A = arith.constant 1.000000e+00 : f32
    %sub3A_49 = vector.broadcast %sub3A : f32 to vector<4096x1xf32>
    %sub3A_50 = arith.subf %sub3A_49, %get3A_48 : vector<4096x1xf32>
    %mul3A = vector.broadcast %sub3A_50 : vector<4096x1xf32> to vector<4096x2xf32>
    %mul3A_51 = arith.mulf %mul3A, %max3A : vector<4096x2xf32>
    %swap3A_52 = arith.constant 0 : index
    %swap3A_53 = arith.constant 0 : index
    %swap3A_54 = vector.load %arg10[%swap3A_52, %swap3A_53] : memref<4096x2xf32, #tpu.memory_space<vmem>>, vector<4096x2xf32>
    tpu.vector_store %arg10[%swap3A_52, %swap3A_53], %mul3A_51 {strides = array<i32>} : memref<4096x2xf32, #tpu.memory_space<vmem>>, vector<4096x2xf32>,
    return
  }
}

module attributes {stable_mosaic.version = 14 : i64} {
  func.func @_gat_gru_body(%arg0: i32, %arg1: memref<256x4096xf32, #tpu.memory_space<vmem>>, %arg2: memref<4096x65xbf16, #tpu.memory_space<vmem>>, %arg3: memref<4096x65xbf16, #tpu.memory_space<vmem>>, %arg4: memref<256x65xbf16, #tpu.memory_space<vmem>>, %arg5: memref<256x65xbf16, #tpu.memory_space<vmem>>, %arg6: memref<256x4xbf16, #tpu.memory_space<vmem>>, %arg7: memref<16x4096xbf16, #tpu.memory_space<vmem>>, %arg8: memref<256x2xf32, #tpu.memory_space<vmem>>, %arg9: memref<256x64xf32, #tpu.memory_space<vmem>>, %arg10: memref<256x1xf32, #tpu.memory_space<vmem>>, %arg11: memref<256x1xf32, #tpu.memory_space<vmem>>, %arg12: memref<256x1xf32, #tpu.memory_space<vmem>>, %arg13: memref<1x64xf32, #tpu.memory_space<vmem>>, %arg14: memref<1x64xf32, #tpu.memory_space<vmem>>, %arg15: memref<192x64xf32, #tpu.memory_space<vmem>>, %arg16: memref<192x64xf32, #tpu.memory_space<vmem>>, %arg17: memref<192x64xf32, #tpu.memory_space<vmem>>, %arg18: memref<256x64xf32, #tpu.memory_space<vmem>>) attributes {dimension_semantics = [#tpu.dimension_semantics<arbitrary>], iteration_bounds = array<i64: 16>, scalar_prefetch = 0 : i64, scratch_operands = 0 : i64, tpu.core_type = #tpu.core_type<tc>, window_params = [{transform_indices = @transform_0, window_bounds = array<i64: 256, 4096>}, {pipeline_mode = #tpu.pipeline_mode<synchronous>, transform_indices = @transform_1, window_bounds = array<i64: 4096, 65>}, {pipeline_mode = #tpu.pipeline_mode<synchronous>, transform_indices = @transform_2, window_bounds = array<i64: 4096, 65>}, {transform_indices = @transform_3, window_bounds = array<i64: 256, 65>}, {transform_indices = @transform_4, window_bounds = array<i64: 256, 65>}, {transform_indices = @transform_5, window_bounds = array<i64: 256, 4>}, {pipeline_mode = #tpu.pipeline_mode<synchronous>, transform_indices = @transform_6, window_bounds = array<i64: 16, 4096>}, {transform_indices = @transform_7, window_bounds = array<i64: 256, 2>}, {transform_indices = @transform_8, window_bounds = array<i64: 256, 64>}, {transform_indices = @transform_9, window_bounds = array<i64: 256, 1>}, {transform_indices = @transform_10, window_bounds = array<i64: 256, 1>}, {transform_indices = @transform_11, window_bounds = array<i64: 256, 1>}, {pipeline_mode = #tpu.pipeline_mode<synchronous>, transform_indices = @transform_12, window_bounds = array<i64: 1, 64>}, {pipeline_mode = #tpu.pipeline_mode<synchronous>, transform_indices = @transform_13, window_bounds = array<i64: 1, 64>}, {pipeline_mode = #tpu.pipeline_mode<synchronous>, transform_indices = @transform_14, window_bounds = array<i64: 192, 64>}, {pipeline_mode = #tpu.pipeline_mode<synchronous>, transform_indices = @transform_15, window_bounds = array<i64: 192, 64>}, {pipeline_mode = #tpu.pipeline_mode<synchronous>, transform_indices = @transform_16, window_bounds = array<i64: 192, 64>}, {transform_indices = @transform_17, window_bounds = array<i64: 256, 64>}]} {
    %get3A = arith.constant 0 : index
    %get3A_0 = arith.constant 0 : index
    %get3A_1 = vector.load %arg1[%get3A, %get3A_0] : memref<256x4096xf32, #tpu.memory_space<vmem>>, vector<256x4096xf32>
    %convert_element_type3A = arith.truncf %get3A_1 : vector<256x4096xf32> to vector<256x4096xbf16>
    %get3A_2 = arith.constant 0 : index
    %get3A_3 = arith.constant 0 : index
    %get3A_4 = vector.load %arg6[%get3A_2, %get3A_3] : memref<256x4xbf16, #tpu.memory_space<vmem>>, vector<256x1xbf16>
    %get3A_5 = arith.constant 0 : index
    %get3A_6 = arith.constant 2 : index
    %get3A_7 = vector.load %arg6[%get3A_5, %get3A_6] : memref<256x4xbf16, #tpu.memory_space<vmem>>, vector<256x1xbf16>
    %get3A_8 = arith.constant 0 : index
    %get3A_9 = arith.constant 0 : index
    %get3A_10 = vector.load %arg7[%get3A_8, %get3A_9] : memref<16x4096xbf16, #tpu.memory_space<vmem>>, vector<1x4096xbf16>
    %get3A_11 = arith.constant 2 : index
    %get3A_12 = arith.constant 0 : index
    %get3A_13 = vector.load %arg7[%get3A_11, %get3A_12] : memref<16x4096xbf16, #tpu.memory_space<vmem>>, vector<1x4096xbf16>
    %mul3A = vector.broadcast %get3A_4 : vector<256x1xbf16> to vector<256x4096xbf16>
    %mul3A_14 = vector.broadcast %get3A_10 : vector<1x4096xbf16> to vector<256x4096xbf16>
    %mul3A_15 = arith.mulf %mul3A, %mul3A_14 : vector<256x4096xbf16>
    %mul3A_16 = vector.broadcast %get3A_7 : vector<256x1xbf16> to vector<256x4096xbf16>
    %mul3A_17 = vector.broadcast %get3A_13 : vector<1x4096xbf16> to vector<256x4096xbf16>
    %mul3A_18 = arith.mulf %mul3A_16, %mul3A_17 : vector<256x4096xbf16>
    %max3A = arith.maximumf %mul3A_15, %mul3A_18 : vector<256x4096xbf16>
    %mul3A_19 = arith.mulf %convert_element_type3A, %max3A : vector<256x4096xbf16>
    %get3A_20 = arith.constant 0 : index
    %get3A_21 = arith.constant 0 : index
    %get3A_22 = vector.load %arg2[%get3A_20, %get3A_21] : memref<4096x65xbf16, #tpu.memory_space<vmem>>, vector<4096x65xbf16>
    %dot_general3A = arith.constant dense<0.000000e+00> : vector<256x65xf32>
    %dot_general3A_23 = tpu.matmul %mul3A_19, %get3A_22, %dot_general3A {dimension_numbers = #tpu.dot_dimension_numbers<[1], [0], [0], [1], [0, 0, 1, 1], [], []>, transpose_lhs_hint = false} : vector<256x4096xbf16>, vector<4096x65xbf16>, vector<256x65xf32> -> vector<256x65xf32>
    %get3A_24 = arith.constant 0 : index
    %get3A_25 = arith.constant 0 : index
    %get3A_26 = vector.load %arg8[%get3A_24, %get3A_25] : memref<256x2xf32, #tpu.memory_space<vmem>>, vector<256x1xf32>
    %get3A_27 = arith.constant 0 : index
    %get3A_28 = arith.constant 0 : index
    %get3A_29 = vector.load %arg4[%get3A_27, %get3A_28] : memref<256x65xbf16, #tpu.memory_space<vmem>>, vector<256x65xbf16>
    %convert_element_type3A_30 = arith.extf %get3A_29 : vector<256x65xbf16> to vector<256x65xf32>
    %mul3A_31 = vector.broadcast %get3A_26 : vector<256x1xf32> to vector<256x65xf32>
    %mul3A_32 = arith.mulf %mul3A_31, %convert_element_type3A_30 : vector<256x65xf32>
    %add3A = arith.addf %dot_general3A_23, %mul3A_32 : vector<256x65xf32>
    %slice3A = vector.extract_strided_slice %add3A {offsets = [0, 0], sizes = [256, 64], strides = [1, 1]} : vector<256x65xf32> to vector<256x64xf32>
    %slice3A_33 = vector.extract_strided_slice %add3A {offsets = [0, 64], sizes = [256, 1], strides = [1, 1]} : vector<256x65xf32> to vector<256x1xf32>
    %div3A = vector.broadcast %slice3A_33 : vector<256x1xf32> to vector<256x64xf32>
    %div3A_34 = arith.divf %slice3A, %div3A : vector<256x64xf32>
    %get3A_35 = arith.constant 0 : index
    %get3A_36 = arith.constant 0 : index
    %get3A_37 = vector.load %arg13[%get3A_35, %get3A_36] : memref<1x64xf32, #tpu.memory_space<vmem>>, vector<1x64xf32>
    %add3A_38 = vector.broadcast %get3A_37 : vector<1x64xf32> to vector<256x64xf32>
    %add3A_39 = arith.addf %div3A_34, %add3A_38 : vector<256x64xf32>
    %get3A_40 = arith.constant 0 : index
    %get3A_41 = arith.constant 1 : index
    %get3A_42 = vector.load %arg6[%get3A_40, %get3A_41] : memref<256x4xbf16, #tpu.memory_space<vmem>>, vector<256x1xbf16>
    %get3A_43 = arith.constant 0 : index
    %get3A_44 = arith.constant 3 : index
    %get3A_45 = vector.load %arg6[%get3A_43, %get3A_44] : memref<256x4xbf16, #tpu.memory_space<vmem>>, vector<256x1xbf16>
    %get3A_46 = arith.constant 1 : index
    %get3A_47 = arith.constant 0 : index
    %get3A_48 = vector.load %arg7[%get3A_46, %get3A_47] : memref<16x4096xbf16, #tpu.memory_space<vmem>>, vector<1x4096xbf16>
    %get3A_49 = arith.constant 3 : index
    %get3A_50 = arith.constant 0 : index
    %get3A_51 = vector.load %arg7[%get3A_49, %get3A_50] : memref<16x4096xbf16, #tpu.memory_space<vmem>>, vector<1x4096xbf16>
    %mul3A_52 = vector.broadcast %get3A_42 : vector<256x1xbf16> to vector<256x4096xbf16>
    %mul3A_53 = vector.broadcast %get3A_48 : vector<1x4096xbf16> to vector<256x4096xbf16>
    %mul3A_54 = arith.mulf %mul3A_52, %mul3A_53 : vector<256x4096xbf16>
    %mul3A_55 = vector.broadcast %get3A_45 : vector<256x1xbf16> to vector<256x4096xbf16>
    %mul3A_56 = vector.broadcast %get3A_51 : vector<1x4096xbf16> to vector<256x4096xbf16>
    %mul3A_57 = arith.mulf %mul3A_55, %mul3A_56 : vector<256x4096xbf16>
    %max3A_58 = arith.maximumf %mul3A_54, %mul3A_57 : vector<256x4096xbf16>
    %mul3A_59 = arith.mulf %convert_element_type3A, %max3A_58 : vector<256x4096xbf16>
    %get3A_60 = arith.constant 0 : index
    %get3A_61 = arith.constant 0 : index
    %get3A_62 = vector.load %arg3[%get3A_60, %get3A_61] : memref<4096x65xbf16, #tpu.memory_space<vmem>>, vector<4096x65xbf16>
    %dot_general3A_63 = arith.constant dense<0.000000e+00> : vector<256x65xf32>
    %dot_general3A_64 = tpu.matmul %mul3A_59, %get3A_62, %dot_general3A_63 {dimension_numbers = #tpu.dot_dimension_numbers<[1], [0], [0], [1], [0, 0, 1, 1], [], []>, transpose_lhs_hint = false} : vector<256x4096xbf16>, vector<4096x65xbf16>, vector<256x65xf32> -> vector<256x65xf32>
    %get3A_65 = arith.constant 0 : index
    %get3A_66 = arith.constant 1 : index
    %get3A_67 = vector.load %arg8[%get3A_65, %get3A_66] : memref<256x2xf32, #tpu.memory_space<vmem>>, vector<256x1xf32>
    %get3A_68 = arith.constant 0 : index
    %get3A_69 = arith.constant 0 : index
    %get3A_70 = vector.load %arg5[%get3A_68, %get3A_69] : memref<256x65xbf16, #tpu.memory_space<vmem>>, vector<256x65xbf16>
    %convert_element_type3A_71 = arith.extf %get3A_70 : vector<256x65xbf16> to vector<256x65xf32>
    %mul3A_72 = vector.broadcast %get3A_67 : vector<256x1xf32> to vector<256x65xf32>
    %mul3A_73 = arith.mulf %mul3A_72, %convert_element_type3A_71 : vector<256x65xf32>
    %add3A_74 = arith.addf %dot_general3A_64, %mul3A_73 : vector<256x65xf32>
    %slice3A_75 = vector.extract_strided_slice %add3A_74 {offsets = [0, 0], sizes = [256, 64], strides = [1, 1]} : vector<256x65xf32> to vector<256x64xf32>
    %slice3A_76 = vector.extract_strided_slice %add3A_74 {offsets = [0, 64], sizes = [256, 1], strides = [1, 1]} : vector<256x65xf32> to vector<256x1xf32>
    %div3A_77 = vector.broadcast %slice3A_76 : vector<256x1xf32> to vector<256x64xf32>
    %div3A_78 = arith.divf %slice3A_75, %div3A_77 : vector<256x64xf32>
    %get3A_79 = arith.constant 0 : index
    %get3A_80 = arith.constant 0 : index
    %get3A_81 = vector.load %arg14[%get3A_79, %get3A_80] : memref<1x64xf32, #tpu.memory_space<vmem>>, vector<1x64xf32>
    %add3A_82 = vector.broadcast %get3A_81 : vector<1x64xf32> to vector<256x64xf32>
    %add3A_83 = arith.addf %div3A_78, %add3A_82 : vector<256x64xf32>
    %get3A_84 = arith.constant 0 : index
    %get3A_85 = arith.constant 0 : index
    %get3A_86 = vector.load %arg9[%get3A_84, %get3A_85] : memref<256x64xf32, #tpu.memory_space<vmem>>, vector<256x64xf32>
    %get3A_87 = arith.constant 0 : index
    %get3A_88 = arith.constant 0 : index
    %get3A_89 = vector.load %arg15[%get3A_87, %get3A_88] : memref<192x64xf32, #tpu.memory_space<vmem>>, vector<192x64xf32>
    %get3A_90 = arith.constant 0 : index
    %get3A_91 = arith.constant 0 : index
    %get3A_92 = vector.load %arg16[%get3A_90, %get3A_91] : memref<192x64xf32, #tpu.memory_space<vmem>>, vector<192x64xf32>
    %get3A_93 = arith.constant 0 : index
    %get3A_94 = arith.constant 0 : index
    %get3A_95 = vector.load %arg17[%get3A_93, %get3A_94] : memref<192x64xf32, #tpu.memory_space<vmem>>, vector<192x64xf32>
    %get3A_96 = arith.constant 0 : index
    %get3A_97 = arith.constant 0 : index
    %get3A_98 = vector.load %arg10[%get3A_96, %get3A_97] : memref<256x1xf32, #tpu.memory_space<vmem>>, vector<256x1xf32>
    %slice3A_99 = vector.extract_strided_slice %get3A_89 {offsets = [0, 0], sizes = [64, 64], strides = [1, 1]} : vector<192x64xf32> to vector<64x64xf32>
    %dot_general3A_100 = arith.constant dense<0.000000e+00> : vector<256x64xf32>
    %dot_general3A_101 = tpu.matmul %add3A_39, %slice3A_99, %dot_general3A_100 {dimension_numbers = #tpu.dot_dimension_numbers<[1], [0], [0], [1], [0, 0, 1, 1], [], []>, transpose_lhs_hint = false} : vector<256x64xf32>, vector<64x64xf32>, vector<256x64xf32> -> vector<256x64xf32>
    %slice3A_102 = vector.extract_strided_slice %get3A_89 {offsets = [64, 0], sizes = [64, 64], strides = [1, 1]} : vector<192x64xf32> to vector<64x64xf32>
    %dot_general3A_103 = arith.constant dense<0.000000e+00> : vector<256x64xf32>
    %dot_general3A_104 = tpu.matmul %add3A_83, %slice3A_102, %dot_general3A_103 {dimension_numbers = #tpu.dot_dimension_numbers<[1], [0], [0], [1], [0, 0, 1, 1], [], []>, transpose_lhs_hint = false} : vector<256x64xf32>, vector<64x64xf32>, vector<256x64xf32> -> vector<256x64xf32>
    %add3A_105 = arith.addf %dot_general3A_101, %dot_general3A_104 : vector<256x64xf32>
    %slice3A_106 = vector.extract_strided_slice %get3A_89 {offsets = [128, 0], sizes = [64, 64], strides = [1, 1]} : vector<192x64xf32> to vector<64x64xf32>
    %dot_general3A_107 = arith.constant dense<0.000000e+00> : vector<256x64xf32>
    %dot_general3A_108 = tpu.matmul %get3A_86, %slice3A_106, %dot_general3A_107 {dimension_numbers = #tpu.dot_dimension_numbers<[1], [0], [0], [1], [0, 0, 1, 1], [], []>, transpose_lhs_hint = false} : vector<256x64xf32>, vector<64x64xf32>, vector<256x64xf32> -> vector<256x64xf32>
    %add3A_109 = arith.addf %add3A_105, %dot_general3A_108 : vector<256x64xf32>
    %add3A_110 = vector.broadcast %get3A_98 : vector<256x1xf32> to vector<256x64xf32>
    %add3A_111 = arith.addf %add3A_110, %add3A_109 : vector<256x64xf32>
    %logistic3A = arith.negf %add3A_111 : vector<256x64xf32>
    %logistic3A_112 = math.exp %logistic3A : vector<256x64xf32>
    %logistic3A_113 = arith.constant 1.000000e+00 : f32
    %logistic3A_114 = vector.broadcast %logistic3A_113 : f32 to vector<256x64xf32>
    %logistic3A_115 = arith.addf %logistic3A_114, %logistic3A_112 : vector<256x64xf32>
    %logistic3A_116 = arith.divf %logistic3A_114, %logistic3A_115 : vector<256x64xf32>
    %get3A_117 = arith.constant 0 : index
    %get3A_118 = arith.constant 0 : index
    %get3A_119 = vector.load %arg11[%get3A_117, %get3A_118] : memref<256x1xf32, #tpu.memory_space<vmem>>, vector<256x1xf32>
    %slice3A_120 = vector.extract_strided_slice %get3A_92 {offsets = [0, 0], sizes = [64, 64], strides = [1, 1]} : vector<192x64xf32> to vector<64x64xf32>
    %dot_general3A_121 = arith.constant dense<0.000000e+00> : vector<256x64xf32>
    %dot_general3A_122 = tpu.matmul %add3A_39, %slice3A_120, %dot_general3A_121 {dimension_numbers = #tpu.dot_dimension_numbers<[1], [0], [0], [1], [0, 0, 1, 1], [], []>, transpose_lhs_hint = false} : vector<256x64xf32>, vector<64x64xf32>, vector<256x64xf32> -> vector<256x64xf32>
    %slice3A_123 = vector.extract_strided_slice %get3A_92 {offsets = [64, 0], sizes = [64, 64], strides = [1, 1]} : vector<192x64xf32> to vector<64x64xf32>
    %dot_general3A_124 = arith.constant dense<0.000000e+00> : vector<256x64xf32>
    %dot_general3A_125 = tpu.matmul %add3A_83, %slice3A_123, %dot_general3A_124 {dimension_numbers = #tpu.dot_dimension_numbers<[1], [0], [0], [1], [0, 0, 1, 1], [], []>, transpose_lhs_hint = false} : vector<256x64xf32>, vector<64x64xf32>, vector<256x64xf32> -> vector<256x64xf32>
    %add3A_126 = arith.addf %dot_general3A_122, %dot_general3A_125 : vector<256x64xf32>
    %slice3A_127 = vector.extract_strided_slice %get3A_92 {offsets = [128, 0], sizes = [64, 64], strides = [1, 1]} : vector<192x64xf32> to vector<64x64xf32>
    %dot_general3A_128 = arith.constant dense<0.000000e+00> : vector<256x64xf32>
    %dot_general3A_129 = tpu.matmul %get3A_86, %slice3A_127, %dot_general3A_128 {dimension_numbers = #tpu.dot_dimension_numbers<[1], [0], [0], [1], [0, 0, 1, 1], [], []>, transpose_lhs_hint = false} : vector<256x64xf32>, vector<64x64xf32>, vector<256x64xf32> -> vector<256x64xf32>
    %add3A_130 = arith.addf %add3A_126, %dot_general3A_129 : vector<256x64xf32>
    %add3A_131 = vector.broadcast %get3A_119 : vector<256x1xf32> to vector<256x64xf32>
    %add3A_132 = arith.addf %add3A_131, %add3A_130 : vector<256x64xf32>
    %logistic3A_133 = arith.negf %add3A_132 : vector<256x64xf32>
    %logistic3A_134 = math.exp %logistic3A_133 : vector<256x64xf32>
    %logistic3A_135 = arith.constant 1.000000e+00 : f32
    %logistic3A_136 = vector.broadcast %logistic3A_135 : f32 to vector<256x64xf32>
    %logistic3A_137 = arith.addf %logistic3A_136, %logistic3A_134 : vector<256x64xf32>
    %logistic3A_138 = arith.divf %logistic3A_136, %logistic3A_137 : vector<256x64xf32>
    %get3A_139 = arith.constant 0 : index
    %get3A_140 = arith.constant 0 : index
    %get3A_141 = vector.load %arg12[%get3A_139, %get3A_140] : memref<256x1xf32, #tpu.memory_space<vmem>>, vector<256x1xf32>
    %mul3A_142 = arith.mulf %logistic3A_138, %get3A_86 : vector<256x64xf32>
    %slice3A_143 = vector.extract_strided_slice %get3A_95 {offsets = [0, 0], sizes = [64, 64], strides = [1, 1]} : vector<192x64xf32> to vector<64x64xf32>
    %dot_general3A_144 = arith.constant dense<0.000000e+00> : vector<256x64xf32>
    %dot_general3A_145 = tpu.matmul %add3A_39, %slice3A_143, %dot_general3A_144 {dimension_numbers = #tpu.dot_dimension_numbers<[1], [0], [0], [1], [0, 0, 1, 1], [], []>, transpose_lhs_hint = false} : vector<256x64xf32>, vector<64x64xf32>, vector<256x64xf32> -> vector<256x64xf32>
    %slice3A_146 = vector.extract_strided_slice %get3A_95 {offsets = [64, 0], sizes = [64, 64], strides = [1, 1]} : vector<192x64xf32> to vector<64x64xf32>
    %dot_general3A_147 = arith.constant dense<0.000000e+00> : vector<256x64xf32>
    %dot_general3A_148 = tpu.matmul %add3A_83, %slice3A_146, %dot_general3A_147 {dimension_numbers = #tpu.dot_dimension_numbers<[1], [0], [0], [1], [0, 0, 1, 1], [], []>, transpose_lhs_hint = false} : vector<256x64xf32>, vector<64x64xf32>, vector<256x64xf32> -> vector<256x64xf32>
    %add3A_149 = arith.addf %dot_general3A_145, %dot_general3A_148 : vector<256x64xf32>
    %slice3A_150 = vector.extract_strided_slice %get3A_95 {offsets = [128, 0], sizes = [64, 64], strides = [1, 1]} : vector<192x64xf32> to vector<64x64xf32>
    %dot_general3A_151 = arith.constant dense<0.000000e+00> : vector<256x64xf32>
    %dot_general3A_152 = tpu.matmul %mul3A_142, %slice3A_150, %dot_general3A_151 {dimension_numbers = #tpu.dot_dimension_numbers<[1], [0], [0], [1], [0, 0, 1, 1], [], []>, transpose_lhs_hint = false} : vector<256x64xf32>, vector<64x64xf32>, vector<256x64xf32> -> vector<256x64xf32>
    %add3A_153 = arith.addf %add3A_149, %dot_general3A_152 : vector<256x64xf32>
    %add3A_154 = vector.broadcast %get3A_141 : vector<256x1xf32> to vector<256x64xf32>
    %add3A_155 = arith.addf %add3A_154, %add3A_153 : vector<256x64xf32>
    %tanh3A = math.tanh %add3A_155 : vector<256x64xf32>
    %mul3A_156 = arith.mulf %logistic3A_116, %get3A_86 : vector<256x64xf32>
    %sub3A = arith.constant 1.000000e+00 : f32
    %sub3A_157 = vector.broadcast %sub3A : f32 to vector<256x64xf32>
    %sub3A_158 = arith.subf %sub3A_157, %logistic3A_116 : vector<256x64xf32>
    %mul3A_159 = arith.mulf %sub3A_158, %tanh3A : vector<256x64xf32>
    %add3A_160 = arith.addf %mul3A_156, %mul3A_159 : vector<256x64xf32>
    %swap3A = arith.constant 0 : index
    %swap3A_161 = arith.constant 0 : index
    %swap3A_162 = vector.load %arg18[%swap3A, %swap3A_161] : memref<256x64xf32, #tpu.memory_space<vmem>>, vector<256x64xf32>
    tpu.vector_store %arg18[%swap3A, %swap3A_161], %add3A_160 {strides = array<i32>} : memref<256x64xf32, #tpu.memory_space<vmem>>, vector<256x64xf32>,
    return
  }
  func.func @transform_0(%arg0: i32) -> (i32, i32) {
    %c0_i32 = arith.constant 0 : i32
    %c0_i32_0 = arith.constant 0 : i32
    return %arg0, %c0_i32 : i32, i32
  }
  func.func @transform_1(%arg0: i32) -> (i32, i32) {
    %c0_i32 = arith.constant 0 : i32
    %c0_i32_0 = arith.constant 0 : i32
    %c0_i32_1 = arith.constant 0 : i32
    return %c0_i32, %c0_i32_0 : i32, i32
  }
  func.func @transform_2(%arg0: i32) -> (i32, i32) {
    %c0_i32 = arith.constant 0 : i32
    %c0_i32_0 = arith.constant 0 : i32
    %c0_i32_1 = arith.constant 0 : i32
    return %c0_i32, %c0_i32_0 : i32, i32
  }
  func.func @transform_3(%arg0: i32) -> (i32, i32) {
    %c0_i32 = arith.constant 0 : i32
    %c0_i32_0 = arith.constant 0 : i32
    return %arg0, %c0_i32 : i32, i32
  }
  func.func @transform_4(%arg0: i32) -> (i32, i32) {
    %c0_i32 = arith.constant 0 : i32
    %c0_i32_0 = arith.constant 0 : i32
    return %arg0, %c0_i32 : i32, i32
  }
  func.func @transform_5(%arg0: i32) -> (i32, i32) {
    %c0_i32 = arith.constant 0 : i32
    %c0_i32_0 = arith.constant 0 : i32
    return %arg0, %c0_i32 : i32, i32
  }
  func.func @transform_6(%arg0: i32) -> (i32, i32) {
    %c0_i32 = arith.constant 0 : i32
    %c0_i32_0 = arith.constant 0 : i32
    %c0_i32_1 = arith.constant 0 : i32
    return %c0_i32, %c0_i32_0 : i32, i32
  }
  func.func @transform_7(%arg0: i32) -> (i32, i32) {
    %c0_i32 = arith.constant 0 : i32
    %c0_i32_0 = arith.constant 0 : i32
    return %arg0, %c0_i32 : i32, i32
  }
  func.func @transform_8(%arg0: i32) -> (i32, i32) {
    %c0_i32 = arith.constant 0 : i32
    %c0_i32_0 = arith.constant 0 : i32
    return %arg0, %c0_i32 : i32, i32
  }
  func.func @transform_9(%arg0: i32) -> (i32, i32) {
    %c0_i32 = arith.constant 0 : i32
    %c0_i32_0 = arith.constant 0 : i32
    return %arg0, %c0_i32 : i32, i32
  }
  func.func @transform_10(%arg0: i32) -> (i32, i32) {
    %c0_i32 = arith.constant 0 : i32
    %c0_i32_0 = arith.constant 0 : i32
    return %arg0, %c0_i32 : i32, i32
  }
  func.func @transform_11(%arg0: i32) -> (i32, i32) {
    %c0_i32 = arith.constant 0 : i32
    %c0_i32_0 = arith.constant 0 : i32
    return %arg0, %c0_i32 : i32, i32
  }
  func.func @transform_12(%arg0: i32) -> (i32, i32) {
    %c0_i32 = arith.constant 0 : i32
    %c0_i32_0 = arith.constant 0 : i32
    %c0_i32_1 = arith.constant 0 : i32
    return %c0_i32, %c0_i32_0 : i32, i32
  }
  func.func @transform_13(%arg0: i32) -> (i32, i32) {
    %c0_i32 = arith.constant 0 : i32
    %c0_i32_0 = arith.constant 0 : i32
    %c0_i32_1 = arith.constant 0 : i32
    return %c0_i32, %c0_i32_0 : i32, i32
  }
  func.func @transform_14(%arg0: i32) -> (i32, i32) {
    %c0_i32 = arith.constant 0 : i32
    %c0_i32_0 = arith.constant 0 : i32
    %c0_i32_1 = arith.constant 0 : i32
    return %c0_i32, %c0_i32_0 : i32, i32
  }
  func.func @transform_15(%arg0: i32) -> (i32, i32) {
    %c0_i32 = arith.constant 0 : i32
    %c0_i32_0 = arith.constant 0 : i32
    %c0_i32_1 = arith.constant 0 : i32
    return %c0_i32, %c0_i32_0 : i32, i32
  }
  func.func @transform_16(%arg0: i32) -> (i32, i32) {
    %c0_i32 = arith.constant 0 : i32
    %c0_i32_0 = arith.constant 0 : i32
    %c0_i32_1 = arith.constant 0 : i32
    return %c0_i32, %c0_i32_0 : i32, i32
  }
  func.func @transform_17(%arg0: i32) -> (i32, i32) {
    %c0_i32 = arith.constant 0 : i32
    %c0_i32_0 = arith.constant 0 : i32
    return %arg0, %c0_i32 : i32, i32
  }
}

module attributes {stable_mosaic.version = 14 : i64} {
  func.func @_decode_body(%arg0: i32, %arg1: memref<256x64xf32, #tpu.memory_space<vmem>>, %arg2: memref<4096x64xf32, #tpu.memory_space<vmem>>, %arg3: memref<64x64xf32, #tpu.memory_space<vmem>>, %arg4: memref<256x4096xf32, #tpu.memory_space<vmem>>) attributes {dimension_semantics = [#tpu.dimension_semantics<arbitrary>], iteration_bounds = array<i64: 16>, scalar_prefetch = 0 : i64, scratch_operands = 0 : i64, tpu.core_type = #tpu.core_type<tc>, window_params = [{transform_indices = @transform_0, window_bounds = array<i64: 256, 64>}, {pipeline_mode = #tpu.pipeline_mode<synchronous>, transform_indices = @transform_1, window_bounds = array<i64: 4096, 64>}, {pipeline_mode = #tpu.pipeline_mode<synchronous>, transform_indices = @transform_2, window_bounds = array<i64: 64, 64>}, {transform_indices = @transform_3, window_bounds = array<i64: 256, 4096>}]} {
    %get3A = arith.constant 0 : index
    %get3A_0 = arith.constant 0 : index
    %get3A_1 = vector.load %arg1[%get3A, %get3A_0] : memref<256x64xf32, #tpu.memory_space<vmem>>, vector<256x64xf32>
    %get3A_2 = arith.constant 0 : index
    %get3A_3 = arith.constant 0 : index
    %get3A_4 = vector.load %arg3[%get3A_2, %get3A_3] : memref<64x64xf32, #tpu.memory_space<vmem>>, vector<64x64xf32>
    %dot_general3A = arith.constant dense<0.000000e+00> : vector<256x64xf32>
    %dot_general3A_5 = tpu.matmul %get3A_1, %get3A_4, %dot_general3A {dimension_numbers = #tpu.dot_dimension_numbers<[1], [0], [0], [1], [0, 0, 1, 1], [], []>, transpose_lhs_hint = false} : vector<256x64xf32>, vector<64x64xf32>, vector<256x64xf32> -> vector<256x64xf32>
    %get3A_6 = arith.constant 0 : index
    %get3A_7 = arith.constant 0 : index
    %get3A_8 = vector.load %arg2[%get3A_6, %get3A_7] : memref<4096x64xf32, #tpu.memory_space<vmem>>, vector<4096x64xf32>
    %dot_general3A_9 = arith.constant dense<0.000000e+00> : vector<256x4096xf32>
    %dot_general3A_10 = tpu.matmul %dot_general3A_5, %get3A_8, %dot_general3A_9 {dimension_numbers = #tpu.dot_dimension_numbers<[1], [1], [0], [0], [0, 0, 1, 0], [], []>, transpose_lhs_hint = false} : vector<256x64xf32>, vector<4096x64xf32>, vector<256x4096xf32> -> vector<256x4096xf32>
    %swap3A = arith.constant 0 : index
    %swap3A_11 = arith.constant 0 : index
    %swap3A_12 = vector.load %arg4[%swap3A, %swap3A_11] : memref<256x4096xf32, #tpu.memory_space<vmem>>, vector<256x4096xf32>
    tpu.vector_store %arg4[%swap3A, %swap3A_11], %dot_general3A_10 {strides = array<i32>} : memref<256x4096xf32, #tpu.memory_space<vmem>>, vector<256x4096xf32>,
    return
  }
  func.func @transform_0(%arg0: i32) -> (i32, i32) {
    %c0_i32 = arith.constant 0 : i32
    %c0_i32_0 = arith.constant 0 : i32
    return %arg0, %c0_i32 : i32, i32
  }
  func.func @transform_1(%arg0: i32) -> (i32, i32) {
    %c0_i32 = arith.constant 0 : i32
    %c0_i32_0 = arith.constant 0 : i32
    %c0_i32_1 = arith.constant 0 : i32
    return %c0_i32, %c0_i32_0 : i32, i32
  }
  func.func @transform_2(%arg0: i32) -> (i32, i32) {
    %c0_i32 = arith.constant 0 : i32
    %c0_i32_0 = arith.constant 0 : i32
    %c0_i32_1 = arith.constant 0 : i32
    return %c0_i32, %c0_i32_0 : i32, i32
  }
  func.func @transform_3(%arg0: i32) -> (i32, i32) {
    %c0_i32 = arith.constant 0 : i32
    %c0_i32_0 = arith.constant 0 : i32
    return %arg0, %c0_i32 : i32, i32
  }
}

</mosaic_0001>

<sc_bundles>
// kernel: gather_offload_async_start
scs
__scs_entry_jumppad:
0x0: {  	(pc) =	sbr.rel $0x88, $3  }
0x1: {  	(tag) =	ssettag $0x0;
	lr =	simm.s32 $0x1  }
0x2: {  	[smem:$0x3F93] =	sst lr;
	_ =	strace $0xD0000000  }
0x3: {  	_ = 	snop  }
0x4: {  	_ = 	snop  }
0x5: {  	_ = 	snop  }
0x6: {  	_ = 	snop  }
0x7: {  	_ = 	snop  }
__scs_overlays_trampoline_lowered:
0x8: {  	[smem:$0x3FA2] =	sst s0  }
0x9: {  	[smem:$0x3FA3] =	sst s1  }
0xa: {  	[smem:$0x3FA4] =	sst s2  }
0xb: {  	[smem:$0x3FA5] =	sst s3  }
0xc: {  	[smem:$0x3FA6] =	sst s4  }
0xd: {  	[smem:$0x3FA7] =	sst s5  }
0xe: {  	[smem:$0x3FA8] =	sst s6  }
0xf: {  	[smem:$0x3FA9] =	sst s7  }
0x10: {  	[smem:$0x3FAA] =	sst s8  }
0x11: {  	[smem:$0x3FAB] =	sst s9;
	s0 =	simm.s32 @!p0 $0x0  }
0x12: {  	s1 =	sld [smem:$0x3F91];
	s0 =	simm.s32 @p0 $0x1  }
0x13: {  	[smem:$0x3FAC] =	sst s0;
	s0 =	simm.s32 @!p1 $0x0  }
0x14: {  	s2 =	sld [smem:$0x3F90];
	s0 =	simm.s32 @p1 $0x1  }
0x15: {  	[smem:$0x3FAD] =	sst s0;
	s0 =	simm.s32 @!p2 $0x0  }
0x16: {  	s3 =	sld [smem:$0x3FDB];
	s0 =	simm.s32 @p2 $0x1  }
0x17: {  	s4 =	simm.s32 $0x1BF5;
	[smem:$0x3FAF] =	sst s0  }
0x18: {  	s0 =	sld [smem:$0x3F92];
	_ =	swait.ge [sflag:s4], $0x0  }
0x19: {  	s7 =	sld [smem:$0x3F93]  }
0x1a: {  	s8 =	sadd.s32 $0xFFFFE003, lr  }
0x1b: {  	s9 =	sadd.s32 $0xFFFFFEF7, lr;
	s5 =	simm.s32 $0xFFFFFFFF;
	p2 =	slt.u32 s8, $0xFFFFF086  }
0x1c: {  	p1 =	slt.u32 s9, $0xF7A;
	s5 =	simm.s32 @!p2 $0x0  }
0x1d: {  	s5 =	simm.s32 @p1 $0x1;
	p0 =	seq.s32 s7, s2  }
0x1e: {  	s7 =	smul.u32 @!p0 $0xF7A, s2;
	p2 =	seq.s32 @!p0 s5, $0x0  }
0x1f: {  	s9 =	smul.u32 $0xF7A, s1;
	s8 =	simm.s32 @!p0 $0x1BF5;
	p2 =	por !p2, p0  }
0x20: {  	[sflag:s8] =	ssyncset.s32 @!p0 $0xFFFFF086;
	s6 =	sadd.s32 @!p0 s3, s7;
	s7 =	simm.s32 @!p0 $0x108  }
0x21: {  	s3 =	sadd.s32 s3, s9;
	s6 =	sadd.s32 @!p0 $0x88, s6;
	s7 =	simm.s32 @p2 $0x1082  }
0x22: {  	[simem:s7], [sflag:s8] =	dma.local @!p0 [hbm:s6], $0xF7A  }
0x23: {  	s9 =	sor.u32 $0xD0000000, s2;
	s6 =	simm.s32 $0x108;
	_ =	swait.ge @!p0 [sflag:s8], $0x0  }
0x24: {  	s3 =	sadd.s32 $0x88, s3;
	s6 =	simm.s32 @!p1 $0x1082;
	[sflag:s4] =	ssyncset.s32 $0xFFFFF086  }
0x25: {  	[simem:s6], [sflag:s4] =	dma.local [hbm:s3], $0xF7A  }
0x26: {  	[smem:$0x3F93] =	sst s1;
	(tag) =	ssettag s2;
	_ =	strace s9  }
0x27: {  	s1 =	sld [smem:$0x3FA3]  }
0x28: {  	s2 =	sld [smem:$0x3FA4]  }
0x29: {  	s4 =	sld [smem:$0x3FA6]  }
0x2a: {  	p0 =	seq.s32 s5, $0x0;
	s5 =	sld [smem:$0x3FA7]  }
0x2b: {  	s6 =	sld [smem:$0x3FA8]  }
0x2c: {  	s7 =	sld [smem:$0x3FA9]  }
0x2d: {  	s3 =	simm.s32 $0x108;
	s8 =	sld [smem:$0x3FAA]  }
0x2e: {  	s3 =	simm.s32 @!p0 $0x1082;
	s9 =	sld [smem:$0x3FAB]  }
0x2f: {  	lr =	sadd.s32 s0, s3;
	s0 =	sld [smem:$0x3FA2]  }
0x30: {  	s3 =	sld [smem:$0x3FA5]  }
0x31: {  	[smem:$0x3FAE] =	sst s10  }
0x32: {  	s10 =	sld [smem:$0x3FAC];
	_ =	sdelay $0x3  }
0x33: {  	p0 =	seq.s32 s10, $0x1;
	s10 =	sld [smem:$0x3FAE];
	_ =	sdelay $0x3  }
0x34: {  	[smem:$0x3FAE] =	sst s10  }
0x35: {  	s10 =	sld [smem:$0x3FAD];
	_ =	sdelay $0x3  }
0x36: {  	p1 =	seq.s32 s10, $0x1;
	s10 =	sld [smem:$0x3FAE];
	_ =	sdelay $0x3  }
0x37: {  	[smem:$0x3FAE] =	sst s10  }
0x38: {  	s10 =	sld [smem:$0x3FAF]  }
0x39: {  	_ = 	snop;
	(pc) =	sbr.ind lr, $3  }
0x3a: {  	_ = 	snop  }
0x3b: {  	_ = 	snop  }
0x3c: {  	p2 =	seq.s32 s10, $0x1;
	s10 =	sld [smem:$0x3FAE]  }
0x3d: {  	_ =	shalt  }
0x3e: {  	_ =	shalt  }
0x3f: {  	_ =	shalt  }
0x40: {  	_ =	shalt  }
0x41: {  	_ =	shalt  }
0x42: {  	_ =	shalt  }
0x43: {  	_ =	shalt  }
0x44: {  	_ =	shalt  }
0x45: {  	_ =	shalt  }
0x46: {  	_ =	shalt  }
0x47: {  	_ =	shalt  }
0x48: {  	_ =	shalt  }
0x49: {  	_ =	shalt  }
0x4a: {  	_ =	shalt  }
0x4b: {  	_ =	shalt  }
0x4c: {  	_ =	shalt  }
0x4d: {  	_ =	shalt  }
0x4e: {  	_ =	shalt  }
0x4f: {  	_ =	shalt  }
0x50: {  	_ =	shalt  }
0x51: {  	_ =	shalt  }
0x52: {  	_ =	shalt  }
0x53: {  	_ =	shalt  }
0x54: {  	_ =	shalt  }
0x55: {  	_ =	shalt  }
0x56: {  	_ =	shalt  }
0x57: {  	_ =	shalt  }
0x58: {  	_ =	shalt  }
0x59: {  	_ =	shalt  }
0x5a: {  	_ =	shalt  }
0x5b: {  	_ =	shalt  }
0x5c: {  	_ =	shalt  }
0x5d: {  	_ =	shalt  }
0x5e: {  	_ =	shalt  }
0x5f: {  	_ =	shalt  }
0x60: {  	_ =	shalt  }
0x61: {  	_ =	shalt  }
0x62: {  	_ =	shalt  }
0x63: {  	_ =	shalt  }
0x64: {  	_ =	shalt  }
0x65: {  	_ =	shalt  }
0x66: {  	_ =	shalt  }
0x67: {  	_ =	shalt  }
0x68: {  	_ =	shalt  }
0x69: {  	_ =	shalt  }
0x6a: {  	_ =	shalt  }
0x6b: {  	_ =	shalt  }
0x6c: {  	_ =	shalt  }
0x6d: {  	_ =	shalt  }
0x6e: {  	_ =	shalt  }
0x6f: {  	_ =	shalt  }
0x70: {  	_ =	shalt  }
0x71: {  	_ =	shalt  }
0x72: {  	_ =	shalt  }
0x73: {  	_ =	shalt  }
0x74: {  	_ =	shalt  }
0x75: {  	_ =	shalt  }
0x76: {  	_ =	shalt  }
0x77: {  	_ =	shalt  }
0x78: {  	_ =	shalt  }
0x79: {  	_ =	shalt  }
0x7a: {  	_ =	shalt  }
0x7b: {  	_ =	shalt  }
0x7c: {  	_ =	shalt  }
0x7d: {  	_ =	shalt  }
0x7e: {  	_ =	shalt  }
0x7f: {  	_ =	shalt  }
0x80: {  	_ =	shalt  }
0x81: {  	_ =	shalt  }
0x82: {  	_ =	shalt  }
0x83: {  	_ =	shalt  }
0x84: {  	_ =	shalt  }
0x85: {  	_ =	shalt  }
0x86: {  	_ =	shalt  }
0x87: {  	_ =	shalt  }
.Lfunc_end0:
.L_simem_size_0:
called_computation_lowered:
.L_overlay_start_0:
0x88: {  	s2 =	sld [smem:$0x3FD9]  }
0x89: {  	s3 =	sld [smem:$0x3FFE];
	_ =	sdelay $0x1  }
0x8a: {  	s1 =	srdreg.scid  }
0x8b: {  	s0 =	sand.u32 $0x1, s1  }
0x8c: {  	s15 =	sshll.u32 s0, $0xA;
	s2 =	sadd.s32 s3, s2  }
0x8d: {  	s2 =	sadd.s32 s2, s15  }
0x8e: {  	[smem:$0x3FBA] =	sst s2  }
0x8f: {  	_ = 	snop  }
0x90: {  	s2 =	sld [smem:$0x3FD0];
	_ =	sdelay $0x2  }
0x91: {  	s4 =	simm.s32 $0xA;
	s5 =	simm.s32 $0x10;
	s16 =	sld [smem:$0x3FC8]  }
0x92: {  	[smem:s5], [sflag:s4] =	dma.local [hbm:s2], $0x1  }
0x93: {  	_ =	swait.eq [sflag:s4], $0x1  }
0x94: {  	[sflag:s4] =	ssyncset.done $0x0  }
0x95: {  	s17 =	sld [smem:$0x10];
	[sflag:s4] =	ssyncadd.s32 $0xFFFFFFFF  }
0x96: {  	s18 =	sld [smem:$0x11];
	(tm) =	ssettm $0x1  }
0x97: {  	s19 =	sld [smem:$0x3FFB];
	_ =	sdelay $0x3  }
0x98: {  	_ =	strace s19  }
0x99: {  	s5 =	sld [smem:$0x3FFC];
	_ =	sdelay $0x3  }
0x9a: {  	_ =	strace s5  }
0x9b: {  	s5 =	sld [smem:$0x3FFD];
	_ =	sdelay $0x3  }
0x9c: {  	_ =	strace s5  }
0x9d: {  	_ =	strace $0x8FFFFFFF  }
0x9e: {  	s20 =	sld [smem:$0x3FDB];
	_ =	sdelay $0x1  }
0x9f: {  	s6 =	simm.s32 $_scs_section_size  }
0xa0: {  	s7 =	simm.s32 $_size__tile_overlayer_lowered;
	s8 =	simm.s32 $_tile_overlayer_lowered  }
0xa1: {  	s23 =	simm.s32 $0x1BFF;
	s22 =	sshll.u32 s8, $0x1;
	s5 =	sadd.s32 s6, s20  }
0xa2: {  	s9 =	simm.s32 $0x0;
	s21 =	sshll.u32 s7, $0x1;
	s7 =	sadd.s32 s22, s5  }
0xa3: {  	[timem:s9], [sflag:s23] =	dma.local [hbm:s7], s21  }
0xa4: {  	_ =	swait.ge [sflag:s23], s21  }
0xa5: {  	s6 =	ssub.s32 $0x0, s21;
	[sflag:s23] =	ssyncset.done $0x0  }
0xa6: {  	[sflag:s23] =	ssyncadd.s32 s6;
	_ =	sdelay $0x1  }
0xa7: {  	s24 =	simm.s32 $0x1B8B  }
0xa8: {  	_ =	swait.ge [sflag:s24], $0x1  }
0xa9: {  	[sflag:s24] =	ssyncset.done $0x0  }
0xaa: {  	s25 =	simm.s32 $0x1B8E;
	[sflag:s24] =	ssyncadd.s32 $0xFFFFFFFF  }
0xab: {  	s26 =	simm.s32 $execute0_lowered;
	[smem:$0x3FD2] =	sst s25  }
0xac: {  	s6 =	sshll.u32 s26, $0x1;
	_ =	strace $0x80000046;
	[dreg:$0x1] =	wrdreg $0xFFFFFFFF  }
0xad: {  	s28 =	simm.s32 $_size_execute0_lowered;
	s5 =	sadd.s32 s5, s6;
	[dreg:$0x0] =	wrdreg $0x0  }
0xae: {  	s6 =	sshll.u32 s28, $0x1;
	[dreg:$0x2] =	wrdreg s5  }
0xaf: {  	[dreg:$0x3] =	wrdreg s6  }
0xb0: {  	[dreg:$0x4] =	wrdreg $0xC0  }
0xb1: {  	_ =	task [dreg:s9], $0x5FFFF  }
0xb2: {  	[dreg:$0x1] =	wrdreg $0xFFFFFFFF  }
0xb3: {  	[dreg:$0x0] =	wrdreg $0x60  }
0xb4: {  	[dreg:$0x2] =	wrdreg s16  }
0xb5: {  	[dreg:$0x3] =	wrdreg s18  }
0xb6: {  	[dreg:$0x4] =	wrdreg s17  }
0xb7: {  	[dreg:$0x5] =	wrdreg $0x9  }
0xb8: {  	_ =	task.clear_ibuf [dreg:s9], $0x6FFFF;
	_ =	strace $0x90000046  }
0xb9: {  	s29 =	simm.s32 $0x9;
	_ =	strace $0x80000048  }
0xba: {  	_ =	swait.ge [sflag:s29], $0x1  }
0xbb: {  	[sflag:s29] =	ssyncadd.s32 $0xFFFFFFFF  }
0xbc: {  	_ =	strace $0x90000048  }
0xbd: {  	_ =	sfence  }
0xbe: {  	s30 =	sld [smem:$0x0];
	_ =	sdelay $0x2  }
0xbf: {  	s31 =	sshll.u32 s1, $0xD;
	s1 =	sshrl.u32 s1, $0x2  }
0xc0: {  	s3 =	sand.u32 $0x4000, s31;
	s1 =	sadd.s32 s1, s30  }
0xc1: {  	s0 =	sor.u32 s3, s0;
	s1 =	sshll.u32 s1, $0x11  }
0xc2: {  	s0 =	sor.u32 s1, s0  }
0xc3: {  	s0 =	sadd.s32 $0x8F2B, s0  }
0xc4: {  	[sflag:s0] =	ssyncadd.remote.s32 $0x1  }
0xc5: {  	_ =	sfence.sel $0xFFFF  }
0xc6: {  	[dreg:$0x0] =	wrdreg $0xFFFFFFFF;
	(pc) =	sbr.abs _section_cstart, $3  }
0xc7: {  	[dreg:$0x1] =	wrdreg $0xFFFFFFFF  }
0xc8: {  	_ =	task.clear_ibuf [dreg:s9], $0x2FFFF;
	_ =	strace $0x9FFFFFFF  }
0xc9: {  	(tm) =	ssettm $0x7FFFFFFF  }
tec
execute0_lowered:
.L_overlay_start_1:
0x0: {  	(tag) =	ssettag $0x1  }
0x1: {  	s1 =	srdreg.scid;
	s2 =	rddreg [dreg:$0x0]  }
0x2: {  	s0 =	stileid.u32;
	s3 =	rddreg [dreg:$0x1]  }
0x3: {  	s4 =	rddreg [dreg:$0x2];
	s6 =	simm.s32 $0x1;
	s1 =	sshll.u32 s1, $0x6  }
0x4: {  	s9 =	simm.s32 $0x1;
	s5 =	sshll.u32 s0, $0x7;
	s1 =	sand.u32 $0x40, s1  }
0x5: {  	s10 =	simm.s32 $0x3;
	s13 =	simm.s32 $0x0;
	s5 =	sor.u32 s5, s1  }
0x6: {  	s12 =	simm.s32 $0x0;
	s1 =	rddreg [dreg:$0x3];
	s8 =	ssub.s32 $0x1000, s5  }
.Ltmp0:
0x7: {  	_ =	strace $0x80000047;
	s7 =	sand.u32 $0x7C0, s8;
	(pc) =	sbr.rel .LBB2_1-.Ltmp0, $4  }
0x8: {  	[sflag:s6] =	ssyncpa.u1 $0x0;
	s11 =	smov.u32 s5;
	p0 =	sne.s32 s7, $0x0  }
0x9: {  	s8 =	sshrl.u32 s8, $0xB;
	s7 =	simm.s32 $0x2;
	s9 =	simm.s32 @!p0 $0x0  }
0xa: {  	[sflag:s7] =	ssyncpa.u1 $0x0;
	p0 =	por $0x0, $0x0;
	s8 =	sadd.s32 s9, s8  }
0xb: {  	vm0 =	vmmov $0xffff;
	[sflag:s10] =	ssyncpa.u1 $0x0;
	s10 =	simm.s32 $0x0;
	s9 =	sadd.s32 $0x1, s8  }
.LBB2_4:
0xc: {  	vm1 =	veq.s32 v0, $0x80000000;
	v63 =	vand.u32 $0xFFF, v0;
	v2 =	vand.u32 $0xFFF, v2  }
0xd: {  	v0 =	vsel vm1, $0xFFFFFFFF, v63;
	v2 =	vsel vm1, $0xFFFFFFFF, v2  }
0xe: {  	v3 =	vshll.u32 v0, $0xC;
	v4 =	vshll.u32 v2, $0x3  }
0xf: {  	v0 =	vshll.u32 v0, $0x7;
	v3 =	vand.u32 $0xFFFF8000, v3;
	v4 =	vand.u32 $0xFFFFFC00, v4  }
0x10: {  	v0 =	vand.u32 $0x380, v0;
	v3 =	vadd.s32 v3, v4  }
0x11: {  	v2 =	vand.u32 $0x7F, v2;
	v0 =	vor.u32 v0, v3  }
0x12: {  	v0 =	vor.u32 v2, v0;
	_ =	sdelay $0x1  }
0x13: {  	(ifvalue) =	ssetifvalue $0x7FFFFFFF;
	s14 =	sadd.s32 $0x10, s14  }
0x14: {  	[tilespmem:s14], [sflag:$0x1] =	stream.indirect_vreg.gather [hbm4b:s2+s10], $0x1, v1, vm0, $0x4038;
	[tilespmem:$0x100] =	vst v63  }
0x15: {  	(ifvalue) =	ssetifvalue $0x7FFFFFFF;
	s14 =	sadd.s32 $0x10, s14  }
0x16: {  	[tilespmem:s14], [sflag:$0x1] =	stream.indirect_vreg.gather [hbm4b:s2+s10], $0x1, v0, vm0, $0x4038;
	[tilespmem:$0x100] =	vst v63  }
0x17: {  	_ =	swait.ge [sflag:s6], $0x40  }
0x18: {  	s30 =	sshrl.u32 s13, $0x3;
	[sflag:s6] =	ssyncset.done $0x0  }
0x19: {  	s31 =	sand.u32 $0x7, s13;
	s14 =	sadd.s32 s4, s30;
	[sflag:s6] =	ssyncadd.s32 $0xFFFFFFC0  }
0x1a: {  	[hbm4b:s14+s31] =	stream.linear.scatter [tilespmem:s15], [sflag:$0x3], $0x40, $0x38;
	[tilespmem:$0x100] =	vst v63  }
.LBB2_5:
0x1b: {  	s15 =	sadd.s32 $0x800, s11  }
0x1c: {  	p2 =	sgt.s32 s15, $0xFFF  }
0x1d: {  	s15 =	smov.u32 @p2 s5;
	p2 =	sne.s32 s12, s9  }
.Ltmp1:
0x1e: {  	p1 =	slt.u32 s12, $0x2;
	(pc) =	sbr.rel @!p2 .LBB2_6-.Ltmp1, $4  }
0x1f: {  	s14 =	simm.s32 @!p1 $0x3  }
0x20: {  	s16 =	sadd.s32 $0x1, s12;
	_ =	swait.ge @!p1 [sflag:s14], $0x40  }
0x21: {  	s13 =	smov.u32 s11;
	p0 =	por !p0, !p0;
	[sflag:s14] =	ssyncset.done @!p1 $0x0  }
0x22: {  	s12 =	smov.u32 s16;
	s11 =	smov.u32 s15;
	[sflag:s14] =	ssyncadd.s32 @!p1 $0xFFFFFFC0  }
.LBB2_1:
0x23: {  	p1 =	sge.u32 s12, s8  }
0x24: {  	s14 =	sxor.u32 @!p1 $0xFFFFFFFF, s12  }
0x25: {  	s31 =	sadd.s32 $0xFFFFFFFF, s12;
	s15 =	sshrl.u32 @!p1 s11, $0x3;
	s14 =	sshll.u32 @!p1 s14, $0x6  }
0x26: {  	s16 =	sand.u32 @!p1 $0x7, s11;
	s15 =	sadd.s32 @!p1 s3, s15;
	s14 =	sand.u32 @!p1 $0x40, s14  }
0x27: {  	[tilespmem:s14], [sflag:$0x2] =	stream.linear.gather @!p1 [hbm4b:s15+s16], $0x40, $0x38;
	[tilespmem:$0x100] =	vst v63  }
0x28: {  	p1 =	sge.u32 s31, s8  }
.Ltmp2:
0x29: {  	_ = 	snop;
	(pc) =	sbr.rel @p1 .LBB2_5-.Ltmp2, $1  }
0x2a: {  	_ =	sdelay $0x3  }
0x2b: {  	s14 =	simm.s32 $0x1  }
0x2c: {  	_ =	swait.ge [sflag:s7], $0x40;
	s14 =	simm.s32 @!p0 $0x0  }
0x2d: {  	[sflag:s7] =	ssyncset.done $0x0;
	s14 =	sshll.u32 s14, $0x6  }
0x2e: {  	[sflag:s7] =	ssyncadd.s32 $0xFFFFFFC0;
	(ifvalue) =	ssetifvalue $0x7FFFFFFF;
	v0 =	vld.msk [tilespmem:s14+$0x0 ss:$0x1], $0xffff;
	_ =	sdelay $0x3  }
0x2f: {  	s15 =	sadd.s32 $0x10, s14  }
0x30: {  	v2 =	vld.msk [tilespmem:s15+$0x0 ss:$0x1], $0xffff;
	v1 =	vshrl.u32 v0, $0xC  }
0x31: {  	vm1 =	veq.s32 v0, $0x80000000;
	v0 =	vand.u32 $0xFFF, v0;
	v1 =	vand.u32 $0xFFF, v1  }
0x32: {  	v0 =	vsel vm1, $0xFFFFFFFF, v0;
	v1 =	vsel vm1, $0xFFFFFFFF, v1  }
0x33: {  	v3 =	vshll.u32 v0, $0xC;
	v4 =	vshll.u32 v1, $0x3  }
0x34: {  	v0 =	vshll.u32 v0, $0x7;
	v3 =	vand.u32 $0xFFFF8000, v3;
	v4 =	vand.u32 $0xFFFFFC00, v4  }
0x35: {  	vm1 =	veq.s32 v2, $0x80000000;
	v0 =	vand.u32 $0x380, v0;
	v3 =	vadd.s32 v3, v4  }
0x36: {  	v1 =	vand.u32 $0x7F, v1;
	v0 =	vor.u32 v0, v3;
	v3 =	vshrl.u32 v2, $0xC  }
0x37: {  	s17 =	sadd.s32 $0x10, s15;
	v2 =	vand.u32 $0xFFF, v2;
	v1 =	vor.u32 v1, v0;
	v3 =	vand.u32 $0xFFF, v3  }
0x38: {  	v0 =	vld.msk [tilespmem:s17+$0x0 ss:$0x1], $0xffff;
	v2 =	vsel vm1, $0xFFFFFFFF, v2;
	v3 =	vsel vm1, $0xFFFFFFFF, v3  }
0x39: {  	v63 =	vshll.u32 v2, $0xC;
	v5 =	vshll.u32 v3, $0x3  }
0x3a: {  	s31 =	sshll.u32 s12, $0x6;
	v2 =	vshll.u32 v2, $0x7;
	v4 =	vand.u32 $0xFFFF8000, v63;
	v5 =	vand.u32 $0xFFFFFC00, v5  }
0x3b: {  	s14 =	sor.u32 $0x80, s14;
	s15 =	sand.u32 $0x40, s31;
	(ifvalue) =	ssetifvalue $0x7FFFFFFF;
	v2 =	vand.u32 $0x380, v2;
	v4 =	vadd.s32 v4, v5  }
0x3c: {  	[tilespmem:s14], [sflag:$0x1] =	stream.indirect_vreg.gather [hbm4b:s2+s10], $0x1, v1, vm0, $0x4038;
	v1 =	vand.u32 $0x7F, v3;
	v3 =	vor.u32 v2, v4;
	[tilespmem:$0x100] =	vst v63  }
0x3d: {  	s16 =	simm.s32 $0x20;
	s15 =	sor.u32 $0x80, s15;
	s17 =	sadd.s32 $0x10, s17;
	v2 =	vshrl.u32 v0, $0xC;
	v1 =	vor.u32 v1, v3  }
.LBB2_3:
0x3e: {  	s16 =	sadd.s32 $0x10, s16;
	vm1 =	veq.s32 v0, $0x80000000;
	v3 =	vand.u32 $0xFFF, v0;
	v0 =	vld.msk [tilespmem:s17+$0x0 ss:$0x1], $0xffff;
	v2 =	vand.u32 $0xFFF, v2  }
0x3f: {  	p1 =	slt.u32 s16, $0x30;
	v3 =	vsel vm1, $0xFFFFFFFF, v3;
	v2 =	vsel vm1, $0xFFFFFFFF, v2  }
.Ltmp3:
0x40: {  	v4 =	vshll.u32 v3, $0xC;
	v5 =	vshll.u32 v2, $0x3;
	(pc) =	sbr.rel @p1 .LBB2_3-.Ltmp3, $4  }
0x41: {  	s14 =	sadd.s32 $0x10, s14;
	v3 =	vshll.u32 v3, $0x7;
	v4 =	vand.u32 $0xFFFF8000, v4;
	v5 =	vand.u32 $0xFFFFFC00, v5;
	(ifvalue) =	ssetifvalue $0x7FFFFFFF  }
0x42: {  	v3 =	vand.u32 $0x380, v3;
	v4 =	vadd.s32 v4, v5;
	[tilespmem:s14], [sflag:$0x1] =	stream.indirect_vreg.gather [hbm4b:s2+s10], $0x1, v1, vm0, $0x4038;
	[tilespmem:$0x100] =	vst v63  }
0x43: {  	v1 =	vand.u32 $0x7F, v2;
	v3 =	vor.u32 v3, v4  }
0x44: {  	s17 =	sadd.s32 $0x10, s17;
	v2 =	vshrl.u32 v0, $0xC;
	v1 =	vor.u32 v1, v3  }
.Ltmp4:
0x45: {  	_ = 	snop;
	(pc) =	sbr.rel .LBB2_4-.Ltmp4, $1  }
0x46: {  	_ =	sdelay $0x3  }
.LBB2_6:
0x47: {  	_ =	sfence.sel $0x180000  }
0x48: {  	s2 =	simm.s32 $0x2;
	[bflag:$0x0] =	sbarrier.arrive $0xFFFF  }
0x49: {  	s30 =	simm.s32 $0x3;
	[sflag:s2] =	ssyncpa.u1 $0x1  }
0x4a: {  	s31 =	simm.s32 $0x1;
	[sflag:s30] =	ssyncpa.u1 $0x1  }
0x4b: {  	[sflag:s31] =	ssyncpa.u1 $0x1  }
0x4c: {  	p0 =	sne.s32 s0, $0x0;
	_ =	strace $0x90000047  }
0x4d: {  	s0 =	sadd.s32 @!p0 $0x100000, s1;
	[bflag:$0x2] =	sbarrier.arrive $0xFFFF  }
0x4e: {  	[sflag:s0] =	ssyncadd.tile.s32 @!p0 $0x1;
	_ =	shalt  }
.Lfunc_end2:
_tile_overlayer_lowered:
.L_overlay_start_2:
0x4f: {  	(tag) =	ssettag $0x2  }
0x50: {  	s0 =	rddreg [dreg:$0x0];
	s2 =	stileid.u32  }
0x51: {  	s1 =	rddreg [dreg:$0x1];
	p0 =	sne.s32 s2, $0x0  }
0x52: {  	s3 =	rddreg [dreg:$0x2];
	[bflag:$0x3] =	sbarrier.arrive $0xFFFF;
	s2 =	simm.s32 @!p0 $0x1C01  }
0x53: {  	[timem:s3], [sflag:s2] =	dma.local @!p0 [hbm:s0], s1  }
0x54: {  	s0 =	simm.s32 @!p0 $0x1  }
0x55: {  	_ =	swait.ge @!p0 [sflag:s0], s1  }
0x56: {  	s1 =	ssub.s32 @!p0 $0x0, s1;
	[sflag:s0] =	ssyncset.done @!p0 $0x0  }
0x57: {  	[sflag:s0] =	ssyncadd.s32 @!p0 s1  }
0x58: {  	[bflag:$0x3] =	sbarrier.arrive $0xFFFF  }
0x59: {  	_ =	shalt  }

</sc_bundles>
